<compile_context>
chip_gen: v7x
topology: tpu7x:2x2x1
jax: 0.10.2.dev20260603
libtpu: 0.0.44.dev20260713+nightly
codegen_flags: <defaults>
</compile_context>

<pallas_src>
import functools

import jax
import jax.numpy as jnp
from jax import lax
from jax.experimental import pallas as pl
from jax.experimental.pallas import tpu as pltpu
from jax.experimental.pallas import tpu_sc as plsc

_LANES = 16


@functools.cache
def _build(batch, dim, levels):
    info = plsc.get_sparse_core_info()
    num_workers = info.num_cores * info.num_subcores
    b_per_w = batch // num_workers

    if b_per_w % 128 == 0 and b_per_w >= 256:
        n_mid = (b_per_w - 128) // 128
        chunks = ([(0, 64)]
                  + [(64 + m * 128, 128) for m in range(n_mid)]
                  + [(b_per_w - 64, 64)])
    else:
        chunks = [(m * 128, 128) for m in range(b_per_w // 128)]
    n_chunks = len(chunks)
    mesh = plsc.VectorSubcoreMesh(core_axis_name="c", subcore_axis_name="s")

    @functools.partial(
        pl.kernel,
        mesh=mesh,
        out_type=jax.ShapeDtypeStruct((batch, dim), jnp.float32),
        scratch_types=[
            pltpu.VMEM((b_per_w,), jnp.float32),
            pltpu.VMEM((b_per_w,), jnp.int32),
            pltpu.VMEM((b_per_w, dim), jnp.float32),
            pltpu.VMEM_SHARED((levels, dim), jnp.float32),
            pltpu.SemaphoreType.DMA,
            pltpu.SemaphoreType.DMA((n_chunks,)),
            pltpu.SemaphoreType.DMA,
        ],
    )
    def k(sev_hbm, table_hbm, out_hbm, sev_v, idx_f, rows_v, table_s,
          sem_t, sem_g, sem_o):
        sid = lax.axis_index("s")
        wid = sid * info.num_cores + lax.axis_index("c")
        base = wid * b_per_w

        staging = []

        @pl.when(sid == 0)
        def _():
            staging.append(pltpu.async_copy(table_hbm, table_s, sem_t))

        pltpu.sync_copy(sev_hbm.at[pl.ds(base, b_per_w)], sev_v)
        scale = jnp.float32(levels - 1)
        hi = jnp.int32(levels - 1)
        lo = jnp.int32(0)

        def quant_group(g, _):
            s = sev_v[pl.ds(g * _LANES, _LANES)]
            q = (s * scale).astype(jnp.int32)
            q = jnp.minimum(jnp.maximum(q, lo), hi)
            idx_f[pl.ds(g * _LANES, _LANES)] = q
            return _

        lax.fori_loop(0, b_per_w // _LANES, quant_group, 0)

        @pl.when(sid == 0)
        def _():
            staging[0].wait()

        plsc.subcore_barrier()
        gathers = []
        for ci, (gstart, size) in enumerate(chunks):
            gathers.append(
                pltpu.async_copy(
                    table_s.at[idx_f.at[pl.ds(gstart, size)]],
                    rows_v.at[pl.ds(gstart, size)],
                    sem_g.at[ci],
                )
            )
        writes = []
        for ci, (gstart, size) in enumerate(chunks):
            gathers[ci].wait()
            writes.append(
                pltpu.async_copy(
                    rows_v.at[pl.ds(gstart, size)],
                    out_hbm.at[pl.ds(base + gstart, size)],
                    sem_o,
                )
            )
        for w in writes:
            w.wait()

    return k


def kernel(severity, table):
    levels, dim = table.shape
    return _build(severity.shape[0], dim, levels)(severity, table)

# --- scband reference (transcript-rebuilt; emitter-appended) ---
"""Pipeline reference for scband-disaster-severity-embedding-11295763988928 (READ-ONLY COPY).

The authoritative reference and input builder live on the scoring server;
editing this copy changes nothing except your own understanding.
"""

import jax, jax.numpy as jnp
import numpy as np

NUM_LEVELS = 16
EMBED_DIM = 128
BATCH = 16384


def setup_inputs(seed: int = 0) -> dict:
    key = jax.random.key(seed)
    k1, k2 = jax.random.split(key)
    severity = jax.random.uniform(k1, (BATCH,), dtype=jnp.float32)  # continuous [0,1]
    # learned embedding table, nn.Embedding default init ~ N(0,1)
    table = jax.random.normal(k2, (NUM_LEVELS, EMBED_DIM), dtype=jnp.float32)
    return {"severity": severity, "table": table}


def reference(severity, table):
    # severity is 1-D: quantize continuous [0,1] to discrete level index
    severity_idx = (severity * (NUM_LEVELS - 1)).astype(jnp.int32)
    severity_idx = jnp.clip(severity_idx, 0, NUM_LEVELS - 1)
    # embedding lookup (gather)
    return jnp.take(table, severity_idx, axis=0)

if __name__ == "__main__":
    import jax
    _d = setup_inputs()
    print(jax.jit(kernel)(*tuple(_d.values())))

</pallas_src>

<mosaic_0001>
#map = affine_map<(d0, d1) -> (0)>
#map1 = affine_map<(d0, d1) -> (0, 0)>
module attributes {stable_mosaic.version = 14 : i64} {
  func.func @k(%arg0: i32, %arg1: i32, %arg2: memref<16384xf32, #tpu.memory_space<hbm>>, %arg3: memref<16x128xf32, #tpu.memory_space<hbm>>, %arg4: memref<16384x128xf32, #tpu.memory_space<hbm>>, %arg5: memref<512xf32, #tpu.memory_space<vmem>>, %arg6: memref<512xi32, #tpu.memory_space<vmem>>, %arg7: memref<512x128xf32, #tpu.memory_space<vmem>>, %arg8: memref<16x128xf32, #tpu.memory_space<vmem_shared>>, %arg9: memref<!tpu.dma_semaphore, #tpu.memory_space<semaphore_mem>>, %arg10: memref<5x!tpu.dma_semaphore, #tpu.memory_space<semaphore_mem>>, %arg11: memref<!tpu.dma_semaphore, #tpu.memory_space<semaphore_mem>>) attributes {dimension_semantics = [#tpu.dimension_semantics<core_parallel>, #tpu.dimension_semantics<subcore_parallel>], iteration_bounds = array<i64: 2, 16>, scalar_prefetch = 0 : i64, scratch_operands = 7 : i64, tpu.core_type = #tpu.core_type<sc_vector_subcore>, window_params = [{transform_indices = #map}, {transform_indices = #map1}, {transform_indices = #map1}]} {
    %mul3A = arith.constant 2 : i32
    %mul3A_0 = arith.muli %arg1, %mul3A : i32
    %add3A = arith.addi %mul3A_0, %arg0 : i32
    %mul3A_1 = arith.constant 512 : i32
    %mul3A_2 = arith.muli %add3A, %mul3A_1 : i32
    %eq3A = arith.constant 0 : i32
    %eq3A_3 = arith.cmpi eq, %arg1, %eq3A : i32
    %convert_element_type3A = arith.extui %eq3A_3 : i1 to i32
    %cond3A = arith.constant 0 : i32
    %cond3A_4 = arith.cmpi ne, %convert_element_type3A, %cond3A : i32
    scf.if %cond3A_4 {
      tpu.enqueue_dma source(%arg3 : memref<16x128xf32, #tpu.memory_space<hbm>>) target(%arg8 : memref<16x128xf32, #tpu.memory_space<vmem_shared>>) target_semaphore(%arg9 : memref<!tpu.dma_semaphore, #tpu.memory_space<semaphore_mem>>)
    } else {
    }
    "tpu.region"() ({
      %run_scoped3A = tpu.sem_alloc : memref<!tpu.dma_semaphore, #tpu.memory_space<semaphore_mem>>
      %dma_start3A_236 = tpu.memref_slice %arg2[%mul3A_2] : memref<16384xf32, #tpu.memory_space<hbm>> -> memref<512xf32, #tpu.memory_space<hbm>>
      %dma_start3A_237 = tpu.memref_slice %arg2[%mul3A_2] : memref<16384xf32, #tpu.memory_space<hbm>> -> memref<512xf32, #tpu.memory_space<hbm>>
      tpu.enqueue_dma source(%dma_start3A_237 : memref<512xf32, #tpu.memory_space<hbm>>) target(%arg5 : memref<512xf32, #tpu.memory_space<vmem>>) target_semaphore(%run_scoped3A : memref<!tpu.dma_semaphore, #tpu.memory_space<semaphore_mem>>)
      %dma_wait3A_238 = tpu.memref_slice %arg2[%mul3A_2] : memref<16384xf32, #tpu.memory_space<hbm>> -> memref<512xf32, #tpu.memory_space<hbm>>
      %dma_wait3A_239 = tpu.memref_slice %arg2[%mul3A_2] : memref<16384xf32, #tpu.memory_space<hbm>> -> memref<512xf32, #tpu.memory_space<hbm>>
      tpu.wait_dma2 semaphore(%run_scoped3A : memref<!tpu.dma_semaphore, #tpu.memory_space<semaphore_mem>>) src(%dma_wait3A_239 : memref<512xf32, #tpu.memory_space<hbm>>) dst(%arg5 : memref<512xf32, #tpu.memory_space<vmem>>)
      tpu.yield
    }) : () -> ()
    %scan3A = arith.constant 0 : i32
    %scan3A_5 = arith.constant 1.500000e+01 : f32
    %scan3A_6 = arith.constant 0 : i32
    %scan3A_7 = arith.constant 15 : i32
    %scan3A_8 = arith.constant 0 : i32
    %scan3A_9 = arith.constant 32 : i32
    %scan3A_10 = arith.addi %scan3A_8, %scan3A_9 : i32
    %scan3A_11 = arith.constant 1 : i32
    scf.for %scan3A_236 = %scan3A_8 to %scan3A_10 step %scan3A_11  : i32 {
      %mul3A_237 = arith.constant 16 : i32
      %mul3A_238 = arith.muli %scan3A_236, %mul3A_237 : i32
      %get3A = arith.index_cast %mul3A_238 : i32 to index
      %get3A_239 = tpu.vector_load %arg5[%get3A] {strides = array<i32>} : memref<512xf32, #tpu.memory_space<vmem>>, vector<16xf32>,
      %get3A_240 = vector.shape_cast %get3A_239 : vector<16xf32> to vector<16xf32>
      %mul3A_241 = vector.broadcast %scan3A_5 : f32 to vector<16xf32>
      %mul3A_242 = arith.mulf %get3A_240, %mul3A_241 : vector<16xf32>
      %convert_element_type3A_243 = arith.fptosi %mul3A_242 : vector<16xf32> to vector<16xi32>
      %max3A = vector.broadcast %scan3A_6 : i32 to vector<16xi32>
      %max3A_244 = arith.maxsi %convert_element_type3A_243, %max3A : vector<16xi32>
      %min3A = vector.broadcast %scan3A_7 : i32 to vector<16xi32>
      %min3A_245 = arith.minsi %max3A_244, %min3A : vector<16xi32>
      %mul3A_246 = arith.constant 16 : i32
      %mul3A_247 = arith.muli %scan3A_236, %mul3A_246 : i32
      %swap3A = arith.index_cast %mul3A_247 : i32 to index
      %swap3A_248 = tpu.vector_load %arg6[%swap3A] {strides = array<i32>} : memref<512xi32, #tpu.memory_space<vmem>>, vector<16xi32>,
      %swap3A_249 = vector.shape_cast %swap3A_248 : vector<16xi32> to vector<16xi32>
      %swap3A_250 = vector.shape_cast %min3A_245 : vector<16xi32> to vector<16xi32>
      tpu.vector_store %arg6[%swap3A], %swap3A_250 {strides = array<i32>} : memref<512xi32, #tpu.memory_space<vmem>>, vector<16xi32>,
    }
    %scan3A_12 = arith.constant 32 : i32
    %eq3A_13 = arith.constant 0 : i32
    %eq3A_14 = arith.cmpi eq, %arg1, %eq3A_13 : i32
    %convert_element_type3A_15 = arith.extui %eq3A_14 : i1 to i32
    %cond3A_16 = arith.constant 0 : i32
    %cond3A_17 = arith.cmpi ne, %convert_element_type3A_15, %cond3A_16 : i32
    scf.if %cond3A_17 {
      tpu.wait_dma2 semaphore(%arg9 : memref<!tpu.dma_semaphore, #tpu.memory_space<semaphore_mem>>) src(%arg3 : memref<16x128xf32, #tpu.memory_space<hbm>>) dst(%arg8 : memref<16x128xf32, #tpu.memory_space<vmem_shared>>)
    } else {
    }
    %barrier3A = arith.constant 0 : index
    tpu.barrier barrier_id(%barrier3A)
    %dma_start3A = arith.constant 0 : i32
    %dma_start3A_18 = arith.constant 0 : i32
    %dma_start3A_19 = arith.constant 0 : i32
    %dma_start3A_20 = tpu.memref_slice %arg7[%dma_start3A_18, %dma_start3A_19] : memref<512x128xf32, #tpu.memory_space<vmem>> -> memref<64x128xf32, #tpu.memory_space<vmem>>
    %dma_start3A_21 = arith.constant 0 : i32
    %dma_start3A_22 = tpu.memref_slice %arg6[%dma_start3A_21] : memref<512xi32, #tpu.memory_space<vmem>> -> memref<64xi32, #tpu.memory_space<vmem>>
    %dma_start3A_23 = arith.constant 0 : i32
    %dma_start3A_24 = arith.constant 0 : i32
    %dma_start3A_25 = tpu.memref_slice %arg8[%dma_start3A_23, %dma_start3A_24] : memref<16x128xf32, #tpu.memory_space<vmem_shared>> -> memref<16x128xf32, #tpu.memory_space<vmem_shared>>
    %dma_start3A_26 = tpu.memref_slice %arg10[%dma_start3A] : memref<5x!tpu.dma_semaphore, #tpu.memory_space<semaphore_mem>> -> memref<1x!tpu.dma_semaphore, #tpu.memory_space<semaphore_mem>>
    %dma_start3A_27 = tpu.memref_squeeze %dma_start3A_26 : memref<1x!tpu.dma_semaphore, #tpu.memory_space<semaphore_mem>> -> memref<!tpu.dma_semaphore, #tpu.memory_space<semaphore_mem>>
    tpu.enqueue_indirect_dma source(%dma_start3A_25 : memref<16x128xf32, #tpu.memory_space<vmem_shared>>) target(%dma_start3A_20 : memref<64x128xf32, #tpu.memory_space<vmem>>) offsets(%dma_start3A_22 : memref<64xi32, #tpu.memory_space<vmem>>) semaphore(%dma_start3A_27 : memref<!tpu.dma_semaphore, #tpu.memory_space<semaphore_mem>>)
    %dma_start3A_28 = arith.constant 1 : i32
    %dma_start3A_29 = arith.constant 64 : i32
    %dma_start3A_30 = arith.constant 0 : i32
    %dma_start3A_31 = tpu.memref_slice %arg7[%dma_start3A_29, %dma_start3A_30] : memref<512x128xf32, #tpu.memory_space<vmem>> -> memref<128x128xf32, #tpu.memory_space<vmem>>
    %dma_start3A_32 = arith.constant 64 : i32
    %dma_start3A_33 = tpu.memref_slice %arg6[%dma_start3A_32] : memref<512xi32, #tpu.memory_space<vmem>> -> memref<128xi32, #tpu.memory_space<vmem>>
    %dma_start3A_34 = arith.constant 0 : i32
    %dma_start3A_35 = arith.constant 0 : i32
    %dma_start3A_36 = tpu.memref_slice %arg8[%dma_start3A_34, %dma_start3A_35] : memref<16x128xf32, #tpu.memory_space<vmem_shared>> -> memref<16x128xf32, #tpu.memory_space<vmem_shared>>
    %dma_start3A_37 = tpu.memref_slice %arg10[%dma_start3A_28] : memref<5x!tpu.dma_semaphore, #tpu.memory_space<semaphore_mem>> -> memref<1x!tpu.dma_semaphore, #tpu.memory_space<semaphore_mem>>
    %dma_start3A_38 = tpu.memref_squeeze %dma_start3A_37 : memref<1x!tpu.dma_semaphore, #tpu.memory_space<semaphore_mem>> -> memref<!tpu.dma_semaphore, #tpu.memory_space<semaphore_mem>>
    tpu.enqueue_indirect_dma source(%dma_start3A_36 : memref<16x128xf32, #tpu.memory_space<vmem_shared>>) target(%dma_start3A_31 : memref<128x128xf32, #tpu.memory_space<vmem>>) offsets(%dma_start3A_33 : memref<128xi32, #tpu.memory_space<vmem>>) semaphore(%dma_start3A_38 : memref<!tpu.dma_semaphore, #tpu.memory_space<semaphore_mem>>)
    %dma_start3A_39 = arith.constant 2 : i32
    %dma_start3A_40 = arith.constant 192 : i32
    %dma_start3A_41 = arith.constant 0 : i32
    %dma_start3A_42 = tpu.memref_slice %arg7[%dma_start3A_40, %dma_start3A_41] : memref<512x128xf32, #tpu.memory_space<vmem>> -> memref<128x128xf32, #tpu.memory_space<vmem>>
    %dma_start3A_43 = arith.constant 192 : i32
    %dma_start3A_44 = tpu.memref_slice %arg6[%dma_start3A_43] : memref<512xi32, #tpu.memory_space<vmem>> -> memref<128xi32, #tpu.memory_space<vmem>>
    %dma_start3A_45 = arith.constant 0 : i32
    %dma_start3A_46 = arith.constant 0 : i32
    %dma_start3A_47 = tpu.memref_slice %arg8[%dma_start3A_45, %dma_start3A_46] : memref<16x128xf32, #tpu.memory_space<vmem_shared>> -> memref<16x128xf32, #tpu.memory_space<vmem_shared>>
    %dma_start3A_48 = tpu.memref_slice %arg10[%dma_start3A_39] : memref<5x!tpu.dma_semaphore, #tpu.memory_space<semaphore_mem>> -> memref<1x!tpu.dma_semaphore, #tpu.memory_space<semaphore_mem>>
    %dma_start3A_49 = tpu.memref_squeeze %dma_start3A_48 : memref<1x!tpu.dma_semaphore, #tpu.memory_space<semaphore_mem>> -> memref<!tpu.dma_semaphore, #tpu.memory_space<semaphore_mem>>
    tpu.enqueue_indirect_dma source(%dma_start3A_47 : memref<16x128xf32, #tpu.memory_space<vmem_shared>>) target(%dma_start3A_42 : memref<128x128xf32, #tpu.memory_space<vmem>>) offsets(%dma_start3A_44 : memref<128xi32, #tpu.memory_space<vmem>>) semaphore(%dma_start3A_49 : memref<!tpu.dma_semaphore, #tpu.memory_space<semaphore_mem>>)
    %dma_start3A_50 = arith.constant 3 : i32
    %dma_start3A_51 = arith.constant 320 : i32
    %dma_start3A_52 = arith.constant 0 : i32
    %dma_start3A_53 = tpu.memref_slice %arg7[%dma_start3A_51, %dma_start3A_52] : memref<512x128xf32, #tpu.memory_space<vmem>> -> memref<128x128xf32, #tpu.memory_space<vmem>>
    %dma_start3A_54 = arith.constant 320 : i32
    %dma_start3A_55 = tpu.memref_slice %arg6[%dma_start3A_54] : memref<512xi32, #tpu.memory_space<vmem>> -> memref<128xi32, #tpu.memory_space<vmem>>
    %dma_start3A_56 = arith.constant 0 : i32
    %dma_start3A_57 = arith.constant 0 : i32
    %dma_start3A_58 = tpu.memref_slice %arg8[%dma_start3A_56, %dma_start3A_57] : memref<16x128xf32, #tpu.memory_space<vmem_shared>> -> memref<16x128xf32, #tpu.memory_space<vmem_shared>>
    %dma_start3A_59 = tpu.memref_slice %arg10[%dma_start3A_50] : memref<5x!tpu.dma_semaphore, #tpu.memory_space<semaphore_mem>> -> memref<1x!tpu.dma_semaphore, #tpu.memory_space<semaphore_mem>>
    %dma_start3A_60 = tpu.memref_squeeze %dma_start3A_59 : memref<1x!tpu.dma_semaphore, #tpu.memory_space<semaphore_mem>> -> memref<!tpu.dma_semaphore, #tpu.memory_space<semaphore_mem>>
    tpu.enqueue_indirect_dma source(%dma_start3A_58 : memref<16x128xf32, #tpu.memory_space<vmem_shared>>) target(%dma_start3A_53 : memref<128x128xf32, #tpu.memory_space<vmem>>) offsets(%dma_start3A_55 : memref<128xi32, #tpu.memory_space<vmem>>) semaphore(%dma_start3A_60 : memref<!tpu.dma_semaphore, #tpu.memory_space<semaphore_mem>>)
    %dma_start3A_61 = arith.constant 4 : i32
    %dma_start3A_62 = arith.constant 448 : i32
    %dma_start3A_63 = arith.constant 0 : i32
    %dma_start3A_64 = tpu.memref_slice %arg7[%dma_start3A_62, %dma_start3A_63] : memref<512x128xf32, #tpu.memory_space<vmem>> -> memref<64x128xf32, #tpu.memory_space<vmem>>
    %dma_start3A_65 = arith.constant 448 : i32
    %dma_start3A_66 = tpu.memref_slice %arg6[%dma_start3A_65] : memref<512xi32, #tpu.memory_space<vmem>> -> memref<64xi32, #tpu.memory_space<vmem>>
    %dma_start3A_67 = arith.constant 0 : i32
    %dma_start3A_68 = arith.constant 0 : i32
    %dma_start3A_69 = tpu.memref_slice %arg8[%dma_start3A_67, %dma_start3A_68] : memref<16x128xf32, #tpu.memory_space<vmem_shared>> -> memref<16x128xf32, #tpu.memory_space<vmem_shared>>
    %dma_start3A_70 = tpu.memref_slice %arg10[%dma_start3A_61] : memref<5x!tpu.dma_semaphore, #tpu.memory_space<semaphore_mem>> -> memref<1x!tpu.dma_semaphore, #tpu.memory_space<semaphore_mem>>
    %dma_start3A_71 = tpu.memref_squeeze %dma_start3A_70 : memref<1x!tpu.dma_semaphore, #tpu.memory_space<semaphore_mem>> -> memref<!tpu.dma_semaphore, #tpu.memory_space<semaphore_mem>>
    tpu.enqueue_indirect_dma source(%dma_start3A_69 : memref<16x128xf32, #tpu.memory_space<vmem_shared>>) target(%dma_start3A_64 : memref<64x128xf32, #tpu.memory_space<vmem>>) offsets(%dma_start3A_66 : memref<64xi32, #tpu.memory_space<vmem>>) semaphore(%dma_start3A_71 : memref<!tpu.dma_semaphore, #tpu.memory_space<semaphore_mem>>)
    %dma_wait3A = arith.constant 0 : i32
    %dma_wait3A_72 = arith.constant 0 : i32
    %dma_wait3A_73 = arith.constant 0 : i32
    %dma_wait3A_74 = tpu.memref_slice %arg7[%dma_wait3A_72, %dma_wait3A_73] : memref<512x128xf32, #tpu.memory_space<vmem>> -> memref<64x128xf32, #tpu.memory_space<vmem>>
    %dma_wait3A_75 = arith.constant 0 : i32
    %dma_wait3A_76 = tpu.memref_slice %arg6[%dma_wait3A_75] : memref<512xi32, #tpu.memory_space<vmem>> -> memref<64xi32, #tpu.memory_space<vmem>>
    %dma_wait3A_77 = arith.constant 0 : i32
    %dma_wait3A_78 = arith.constant 0 : i32
    %dma_wait3A_79 = tpu.memref_slice %arg8[%dma_wait3A_77, %dma_wait3A_78] : memref<16x128xf32, #tpu.memory_space<vmem_shared>> -> memref<16x128xf32, #tpu.memory_space<vmem_shared>>
    %dma_wait3A_80 = tpu.memref_slice %arg10[%dma_wait3A] : memref<5x!tpu.dma_semaphore, #tpu.memory_space<semaphore_mem>> -> memref<1x!tpu.dma_semaphore, #tpu.memory_space<semaphore_mem>>
    %dma_wait3A_81 = tpu.memref_squeeze %dma_wait3A_80 : memref<1x!tpu.dma_semaphore, #tpu.memory_space<semaphore_mem>> -> memref<!tpu.dma_semaphore, #tpu.memory_space<semaphore_mem>>
    tpu.wait_indirect_dma semaphore(%dma_wait3A_81 : memref<!tpu.dma_semaphore, #tpu.memory_space<semaphore_mem>>) src(%dma_wait3A_79 : memref<16x128xf32, #tpu.memory_space<vmem_shared>>) dst(%dma_wait3A_74 : memref<64x128xf32, #tpu.memory_space<vmem>>)
    %add3A_82 = arith.constant 0 : i32
    %add3A_83 = arith.addi %mul3A_2, %add3A_82 : i32
    %dma_start3A_84 = arith.constant 0 : i32
    %dma_start3A_85 = arith.constant 0 : i32
    %dma_start3A_86 = tpu.memref_slice %arg7[%dma_start3A_84, %dma_start3A_85] : memref<512x128xf32, #tpu.memory_space<vmem>> -> memref<64x128xf32, #tpu.memory_space<vmem>>
    %dma_start3A_87 = arith.constant 0 : i32
    %dma_start3A_88 = tpu.memref_slice %arg4[%add3A_83, %dma_start3A_87] : memref<16384x128xf32, #tpu.memory_space<hbm>> -> memref<64x128xf32, #tpu.memory_space<hbm>>
    %dma_start3A_89 = arith.constant 0 : i32
    %dma_start3A_90 = tpu.memref_slice %arg4[%add3A_83, %dma_start3A_89] : memref<16384x128xf32, #tpu.memory_space<hbm>> -> memref<64x128xf32, #tpu.memory_space<hbm>>
    %dma_start3A_91 = arith.constant 0 : i32
    %dma_start3A_92 = arith.constant 0 : i32
    %dma_start3A_93 = tpu.memref_slice %arg7[%dma_start3A_91, %dma_start3A_92] : memref<512x128xf32, #tpu.memory_space<vmem>> -> memref<64x128xf32, #tpu.memory_space<vmem>>
    tpu.enqueue_dma source(%dma_start3A_93 : memref<64x128xf32, #tpu.memory_space<vmem>>) target(%dma_start3A_90 : memref<64x128xf32, #tpu.memory_space<hbm>>) target_semaphore(%arg11 : memref<!tpu.dma_semaphore, #tpu.memory_space<semaphore_mem>>)
    %dma_wait3A_94 = arith.constant 1 : i32
    %dma_wait3A_95 = arith.constant 64 : i32
    %dma_wait3A_96 = arith.constant 0 : i32
    %dma_wait3A_97 = tpu.memref_slice %arg7[%dma_wait3A_95, %dma_wait3A_96] : memref<512x128xf32, #tpu.memory_space<vmem>> -> memref<128x128xf32, #tpu.memory_space<vmem>>
    %dma_wait3A_98 = arith.constant 64 : i32
    %dma_wait3A_99 = tpu.memref_slice %arg6[%dma_wait3A_98] : memref<512xi32, #tpu.memory_space<vmem>> -> memref<128xi32, #tpu.memory_space<vmem>>
    %dma_wait3A_100 = arith.constant 0 : i32
    %dma_wait3A_101 = arith.constant 0 : i32
    %dma_wait3A_102 = tpu.memref_slice %arg8[%dma_wait3A_100, %dma_wait3A_101] : memref<16x128xf32, #tpu.memory_space<vmem_shared>> -> memref<16x128xf32, #tpu.memory_space<vmem_shared>>
    %dma_wait3A_103 = tpu.memref_slice %arg10[%dma_wait3A_94] : memref<5x!tpu.dma_semaphore, #tpu.memory_space<semaphore_mem>> -> memref<1x!tpu.dma_semaphore, #tpu.memory_space<semaphore_mem>>
    %dma_wait3A_104 = tpu.memref_squeeze %dma_wait3A_103 : memref<1x!tpu.dma_semaphore, #tpu.memory_space<semaphore_mem>> -> memref<!tpu.dma_semaphore, #tpu.memory_space<semaphore_mem>>
    tpu.wait_indirect_dma semaphore(%dma_wait3A_104 : memref<!tpu.dma_semaphore, #tpu.memory_space<semaphore_mem>>) src(%dma_wait3A_102 : memref<16x128xf32, #tpu.memory_space<vmem_shared>>) dst(%dma_wait3A_97 : memref<128x128xf32, #tpu.memory_space<vmem>>)
    %add3A_105 = arith.constant 64 : i32
    %add3A_106 = arith.addi %mul3A_2, %add3A_105 : i32
    %dma_start3A_107 = arith.constant 64 : i32
    %dma_start3A_108 = arith.constant 0 : i32
    %dma_start3A_109 = tpu.memref_slice %arg7[%dma_start3A_107, %dma_start3A_108] : memref<512x128xf32, #tpu.memory_space<vmem>> -> memref<128x128xf32, #tpu.memory_space<vmem>>
    %dma_start3A_110 = arith.constant 0 : i32
    %dma_start3A_111 = tpu.memref_slice %arg4[%add3A_106, %dma_start3A_110] : memref<16384x128xf32, #tpu.memory_space<hbm>> -> memref<128x128xf32, #tpu.memory_space<hbm>>
    %dma_start3A_112 = arith.constant 0 : i32
    %dma_start3A_113 = tpu.memref_slice %arg4[%add3A_106, %dma_start3A_112] : memref<16384x128xf32, #tpu.memory_space<hbm>> -> memref<128x128xf32, #tpu.memory_space<hbm>>
    %dma_start3A_114 = arith.constant 64 : i32
    %dma_start3A_115 = arith.constant 0 : i32
    %dma_start3A_116 = tpu.memref_slice %arg7[%dma_start3A_114, %dma_start3A_115] : memref<512x128xf32, #tpu.memory_space<vmem>> -> memref<128x128xf32, #tpu.memory_space<vmem>>
    tpu.enqueue_dma source(%dma_start3A_116 : memref<128x128xf32, #tpu.memory_space<vmem>>) target(%dma_start3A_113 : memref<128x128xf32, #tpu.memory_space<hbm>>) target_semaphore(%arg11 : memref<!tpu.dma_semaphore, #tpu.memory_space<semaphore_mem>>)
    %dma_wait3A_117 = arith.constant 2 : i32
    %dma_wait3A_118 = arith.constant 192 : i32
    %dma_wait3A_119 = arith.constant 0 : i32
    %dma_wait3A_120 = tpu.memref_slice %arg7[%dma_wait3A_118, %dma_wait3A_119] : memref<512x128xf32, #tpu.memory_space<vmem>> -> memref<128x128xf32, #tpu.memory_space<vmem>>
    %dma_wait3A_121 = arith.constant 192 : i32
    %dma_wait3A_122 = tpu.memref_slice %arg6[%dma_wait3A_121] : memref<512xi32, #tpu.memory_space<vmem>> -> memref<128xi32, #tpu.memory_space<vmem>>
    %dma_wait3A_123 = arith.constant 0 : i32
    %dma_wait3A_124 = arith.constant 0 : i32
    %dma_wait3A_125 = tpu.memref_slice %arg8[%dma_wait3A_123, %dma_wait3A_124] : memref<16x128xf32, #tpu.memory_space<vmem_shared>> -> memref<16x128xf32, #tpu.memory_space<vmem_shared>>
    %dma_wait3A_126 = tpu.memref_slice %arg10[%dma_wait3A_117] : memref<5x!tpu.dma_semaphore, #tpu.memory_space<semaphore_mem>> -> memref<1x!tpu.dma_semaphore, #tpu.memory_space<semaphore_mem>>
    %dma_wait3A_127 = tpu.memref_squeeze %dma_wait3A_126 : memref<1x!tpu.dma_semaphore, #tpu.memory_space<semaphore_mem>> -> memref<!tpu.dma_semaphore, #tpu.memory_space<semaphore_mem>>
    tpu.wait_indirect_dma semaphore(%dma_wait3A_127 : memref<!tpu.dma_semaphore, #tpu.memory_space<semaphore_mem>>) src(%dma_wait3A_125 : memref<16x128xf32, #tpu.memory_space<vmem_shared>>) dst(%dma_wait3A_120 : memref<128x128xf32, #tpu.memory_space<vmem>>)
    %add3A_128 = arith.constant 192 : i32
    %add3A_129 = arith.addi %mul3A_2, %add3A_128 : i32
    %dma_start3A_130 = arith.constant 192 : i32
    %dma_start3A_131 = arith.constant 0 : i32
    %dma_start3A_132 = tpu.memref_slice %arg7[%dma_start3A_130, %dma_start3A_131] : memref<512x128xf32, #tpu.memory_space<vmem>> -> memref<128x128xf32, #tpu.memory_space<vmem>>
    %dma_start3A_133 = arith.constant 0 : i32
    %dma_start3A_134 = tpu.memref_slice %arg4[%add3A_129, %dma_start3A_133] : memref<16384x128xf32, #tpu.memory_space<hbm>> -> memref<128x128xf32, #tpu.memory_space<hbm>>
    %dma_start3A_135 = arith.constant 0 : i32
    %dma_start3A_136 = tpu.memref_slice %arg4[%add3A_129, %dma_start3A_135] : memref<16384x128xf32, #tpu.memory_space<hbm>> -> memref<128x128xf32, #tpu.memory_space<hbm>>
    %dma_start3A_137 = arith.constant 192 : i32
    %dma_start3A_138 = arith.constant 0 : i32
    %dma_start3A_139 = tpu.memref_slice %arg7[%dma_start3A_137, %dma_start3A_138] : memref<512x128xf32, #tpu.memory_space<vmem>> -> memref<128x128xf32, #tpu.memory_space<vmem>>
    tpu.enqueue_dma source(%dma_start3A_139 : memref<128x128xf32, #tpu.memory_space<vmem>>) target(%dma_start3A_136 : memref<128x128xf32, #tpu.memory_space<hbm>>) target_semaphore(%arg11 : memref<!tpu.dma_semaphore, #tpu.memory_space<semaphore_mem>>)
    %dma_wait3A_140 = arith.constant 3 : i32
    %dma_wait3A_141 = arith.constant 320 : i32
    %dma_wait3A_142 = arith.constant 0 : i32
    %dma_wait3A_143 = tpu.memref_slice %arg7[%dma_wait3A_141, %dma_wait3A_142] : memref<512x128xf32, #tpu.memory_space<vmem>> -> memref<128x128xf32, #tpu.memory_space<vmem>>
    %dma_wait3A_144 = arith.constant 320 : i32
    %dma_wait3A_145 = tpu.memref_slice %arg6[%dma_wait3A_144] : memref<512xi32, #tpu.memory_space<vmem>> -> memref<128xi32, #tpu.memory_space<vmem>>
    %dma_wait3A_146 = arith.constant 0 : i32
    %dma_wait3A_147 = arith.constant 0 : i32
    %dma_wait3A_148 = tpu.memref_slice %arg8[%dma_wait3A_146, %dma_wait3A_147] : memref<16x128xf32, #tpu.memory_space<vmem_shared>> -> memref<16x128xf32, #tpu.memory_space<vmem_shared>>
    %dma_wait3A_149 = tpu.memref_slice %arg10[%dma_wait3A_140] : memref<5x!tpu.dma_semaphore, #tpu.memory_space<semaphore_mem>> -> memref<1x!tpu.dma_semaphore, #tpu.memory_space<semaphore_mem>>
    %dma_wait3A_150 = tpu.memref_squeeze %dma_wait3A_149 : memref<1x!tpu.dma_semaphore, #tpu.memory_space<semaphore_mem>> -> memref<!tpu.dma_semaphore, #tpu.memory_space<semaphore_mem>>
    tpu.wait_indirect_dma semaphore(%dma_wait3A_150 : memref<!tpu.dma_semaphore, #tpu.memory_space<semaphore_mem>>) src(%dma_wait3A_148 : memref<16x128xf32, #tpu.memory_space<vmem_shared>>) dst(%dma_wait3A_143 : memref<128x128xf32, #tpu.memory_space<vmem>>)
    %add3A_151 = arith.constant 320 : i32
    %add3A_152 = arith.addi %mul3A_2, %add3A_151 : i32
    %dma_start3A_153 = arith.constant 320 : i32
    %dma_start3A_154 = arith.constant 0 : i32
    %dma_start3A_155 = tpu.memref_slice %arg7[%dma_start3A_153, %dma_start3A_154] : memref<512x128xf32, #tpu.memory_space<vmem>> -> memref<128x128xf32, #tpu.memory_space<vmem>>
    %dma_start3A_156 = arith.constant 0 : i32
    %dma_start3A_157 = tpu.memref_slice %arg4[%add3A_152, %dma_start3A_156] : memref<16384x128xf32, #tpu.memory_space<hbm>> -> memref<128x128xf32, #tpu.memory_space<hbm>>
    %dma_start3A_158 = arith.constant 0 : i32
    %dma_start3A_159 = tpu.memref_slice %arg4[%add3A_152, %dma_start3A_158] : memref<16384x128xf32, #tpu.memory_space<hbm>> -> memref<128x128xf32, #tpu.memory_space<hbm>>
    %dma_start3A_160 = arith.constant 320 : i32
    %dma_start3A_161 = arith.constant 0 : i32
    %dma_start3A_162 = tpu.memref_slice %arg7[%dma_start3A_160, %dma_start3A_161] : memref<512x128xf32, #tpu.memory_space<vmem>> -> memref<128x128xf32, #tpu.memory_space<vmem>>
    tpu.enqueue_dma source(%dma_start3A_162 : memref<128x128xf32, #tpu.memory_space<vmem>>) target(%dma_start3A_159 : memref<128x128xf32, #tpu.memory_space<hbm>>) target_semaphore(%arg11 : memref<!tpu.dma_semaphore, #tpu.memory_space<semaphore_mem>>)
    %dma_wait3A_163 = arith.constant 4 : i32
    %dma_wait3A_164 = arith.constant 448 : i32
    %dma_wait3A_165 = arith.constant 0 : i32
    %dma_wait3A_166 = tpu.memref_slice %arg7[%dma_wait3A_164, %dma_wait3A_165] : memref<512x128xf32, #tpu.memory_space<vmem>> -> memref<64x128xf32, #tpu.memory_space<vmem>>
    %dma_wait3A_167 = arith.constant 448 : i32
    %dma_wait3A_168 = tpu.memref_slice %arg6[%dma_wait3A_167] : memref<512xi32, #tpu.memory_space<vmem>> -> memref<64xi32, #tpu.memory_space<vmem>>
    %dma_wait3A_169 = arith.constant 0 : i32
    %dma_wait3A_170 = arith.constant 0 : i32
    %dma_wait3A_171 = tpu.memref_slice %arg8[%dma_wait3A_169, %dma_wait3A_170] : memref<16x128xf32, #tpu.memory_space<vmem_shared>> -> memref<16x128xf32, #tpu.memory_space<vmem_shared>>
    %dma_wait3A_172 = tpu.memref_slice %arg10[%dma_wait3A_163] : memref<5x!tpu.dma_semaphore, #tpu.memory_space<semaphore_mem>> -> memref<1x!tpu.dma_semaphore, #tpu.memory_space<semaphore_mem>>
    %dma_wait3A_173 = tpu.memref_squeeze %dma_wait3A_172 : memref<1x!tpu.dma_semaphore, #tpu.memory_space<semaphore_mem>> -> memref<!tpu.dma_semaphore, #tpu.memory_space<semaphore_mem>>
    tpu.wait_indirect_dma semaphore(%dma_wait3A_173 : memref<!tpu.dma_semaphore, #tpu.memory_space<semaphore_mem>>) src(%dma_wait3A_171 : memref<16x128xf32, #tpu.memory_space<vmem_shared>>) dst(%dma_wait3A_166 : memref<64x128xf32, #tpu.memory_space<vmem>>)
    %add3A_174 = arith.constant 448 : i32
    %add3A_175 = arith.addi %mul3A_2, %add3A_174 : i32
    %dma_start3A_176 = arith.constant 448 : i32
    %dma_start3A_177 = arith.constant 0 : i32
    %dma_start3A_178 = tpu.memref_slice %arg7[%dma_start3A_176, %dma_start3A_177] : memref<512x128xf32, #tpu.memory_space<vmem>> -> memref<64x128xf32, #tpu.memory_space<vmem>>
    %dma_start3A_179 = arith.constant 0 : i32
    %dma_start3A_180 = tpu.memref_slice %arg4[%add3A_175, %dma_start3A_179] : memref<16384x128xf32, #tpu.memory_space<hbm>> -> memref<64x128xf32, #tpu.memory_space<hbm>>
    %dma_start3A_181 = arith.constant 0 : i32
    %dma_start3A_182 = tpu.memref_slice %arg4[%add3A_175, %dma_start3A_181] : memref<16384x128xf32, #tpu.memory_space<hbm>> -> memref<64x128xf32, #tpu.memory_space<hbm>>
    %dma_start3A_183 = arith.constant 448 : i32
    %dma_start3A_184 = arith.constant 0 : i32
    %dma_start3A_185 = tpu.memref_slice %arg7[%dma_start3A_183, %dma_start3A_184] : memref<512x128xf32, #tpu.memory_space<vmem>> -> memref<64x128xf32, #tpu.memory_space<vmem>>
    tpu.enqueue_dma source(%dma_start3A_185 : memref<64x128xf32, #tpu.memory_space<vmem>>) target(%dma_start3A_182 : memref<64x128xf32, #tpu.memory_space<hbm>>) target_semaphore(%arg11 : memref<!tpu.dma_semaphore, #tpu.memory_space<semaphore_mem>>)
    %dma_wait3A_186 = arith.constant 0 : i32
    %dma_wait3A_187 = arith.constant 0 : i32
    %dma_wait3A_188 = tpu.memref_slice %arg7[%dma_wait3A_186, %dma_wait3A_187] : memref<512x128xf32, #tpu.memory_space<vmem>> -> memref<64x128xf32, #tpu.memory_space<vmem>>
    %dma_wait3A_189 = arith.constant 0 : i32
    %dma_wait3A_190 = tpu.memref_slice %arg4[%add3A_83, %dma_wait3A_189] : memref<16384x128xf32, #tpu.memory_space<hbm>> -> memref<64x128xf32, #tpu.memory_space<hbm>>
    %dma_wait3A_191 = arith.constant 0 : i32
    %dma_wait3A_192 = tpu.memref_slice %arg4[%add3A_83, %dma_wait3A_191] : memref<16384x128xf32, #tpu.memory_space<hbm>> -> memref<64x128xf32, #tpu.memory_space<hbm>>
    %dma_wait3A_193 = arith.constant 0 : i32
    %dma_wait3A_194 = arith.constant 0 : i32
    %dma_wait3A_195 = tpu.memref_slice %arg7[%dma_wait3A_193, %dma_wait3A_194] : memref<512x128xf32, #tpu.memory_space<vmem>> -> memref<64x128xf32, #tpu.memory_space<vmem>>
    tpu.wait_dma2 semaphore(%arg11 : memref<!tpu.dma_semaphore, #tpu.memory_space<semaphore_mem>>) src(%dma_wait3A_195 : memref<64x128xf32, #tpu.memory_space<vmem>>) dst(%dma_wait3A_192 : memref<64x128xf32, #tpu.memory_space<hbm>>)
    %dma_wait3A_196 = arith.constant 64 : i32
    %dma_wait3A_197 = arith.constant 0 : i32
    %dma_wait3A_198 = tpu.memref_slice %arg7[%dma_wait3A_196, %dma_wait3A_197] : memref<512x128xf32, #tpu.memory_space<vmem>> -> memref<128x128xf32, #tpu.memory_space<vmem>>
    %dma_wait3A_199 = arith.constant 0 : i32
    %dma_wait3A_200 = tpu.memref_slice %arg4[%add3A_106, %dma_wait3A_199] : memref<16384x128xf32, #tpu.memory_space<hbm>> -> memref<128x128xf32, #tpu.memory_space<hbm>>
    %dma_wait3A_201 = arith.constant 0 : i32
    %dma_wait3A_202 = tpu.memref_slice %arg4[%add3A_106, %dma_wait3A_201] : memref<16384x128xf32, #tpu.memory_space<hbm>> -> memref<128x128xf32, #tpu.memory_space<hbm>>
    %dma_wait3A_203 = arith.constant 64 : i32
    %dma_wait3A_204 = arith.constant 0 : i32
    %dma_wait3A_205 = tpu.memref_slice %arg7[%dma_wait3A_203, %dma_wait3A_204] : memref<512x128xf32, #tpu.memory_space<vmem>> -> memref<128x128xf32, #tpu.memory_space<vmem>>
    tpu.wait_dma2 semaphore(%arg11 : memref<!tpu.dma_semaphore, #tpu.memory_space<semaphore_mem>>) src(%dma_wait3A_205 : memref<128x128xf32, #tpu.memory_space<vmem>>) dst(%dma_wait3A_202 : memref<128x128xf32, #tpu.memory_space<hbm>>)
    %dma_wait3A_206 = arith.constant 192 : i32
    %dma_wait3A_207 = arith.constant 0 : i32
    %dma_wait3A_208 = tpu.memref_slice %arg7[%dma_wait3A_206, %dma_wait3A_207] : memref<512x128xf32, #tpu.memory_space<vmem>> -> memref<128x128xf32, #tpu.memory_space<vmem>>
    %dma_wait3A_209 = arith.constant 0 : i32
    %dma_wait3A_210 = tpu.memref_slice %arg4[%add3A_129, %dma_wait3A_209] : memref<16384x128xf32, #tpu.memory_space<hbm>> -> memref<128x128xf32, #tpu.memory_space<hbm>>
    %dma_wait3A_211 = arith.constant 0 : i32
    %dma_wait3A_212 = tpu.memref_slice %arg4[%add3A_129, %dma_wait3A_211] : memref<16384x128xf32, #tpu.memory_space<hbm>> -> memref<128x128xf32, #tpu.memory_space<hbm>>
    %dma_wait3A_213 = arith.constant 192 : i32
    %dma_wait3A_214 = arith.constant 0 : i32
    %dma_wait3A_215 = tpu.memref_slice %arg7[%dma_wait3A_213, %dma_wait3A_214] : memref<512x128xf32, #tpu.memory_space<vmem>> -> memref<128x128xf32, #tpu.memory_space<vmem>>
    tpu.wait_dma2 semaphore(%arg11 : memref<!tpu.dma_semaphore, #tpu.memory_space<semaphore_mem>>) src(%dma_wait3A_215 : memref<128x128xf32, #tpu.memory_space<vmem>>) dst(%dma_wait3A_212 : memref<128x128xf32, #tpu.memory_space<hbm>>)
    %dma_wait3A_216 = arith.constant 320 : i32
    %dma_wait3A_217 = arith.constant 0 : i32
    %dma_wait3A_218 = tpu.memref_slice %arg7[%dma_wait3A_216, %dma_wait3A_217] : memref<512x128xf32, #tpu.memory_space<vmem>> -> memref<128x128xf32, #tpu.memory_space<vmem>>
    %dma_wait3A_219 = arith.constant 0 : i32
    %dma_wait3A_220 = tpu.memref_slice %arg4[%add3A_152, %dma_wait3A_219] : memref<16384x128xf32, #tpu.memory_space<hbm>> -> memref<128x128xf32, #tpu.memory_space<hbm>>
    %dma_wait3A_221 = arith.constant 0 : i32
    %dma_wait3A_222 = tpu.memref_slice %arg4[%add3A_152, %dma_wait3A_221] : memref<16384x128xf32, #tpu.memory_space<hbm>> -> memref<128x128xf32, #tpu.memory_space<hbm>>
    %dma_wait3A_223 = arith.constant 320 : i32
    %dma_wait3A_224 = arith.constant 0 : i32
    %dma_wait3A_225 = tpu.memref_slice %arg7[%dma_wait3A_223, %dma_wait3A_224] : memref<512x128xf32, #tpu.memory_space<vmem>> -> memref<128x128xf32, #tpu.memory_space<vmem>>
    tpu.wait_dma2 semaphore(%arg11 : memref<!tpu.dma_semaphore, #tpu.memory_space<semaphore_mem>>) src(%dma_wait3A_225 : memref<128x128xf32, #tpu.memory_space<vmem>>) dst(%dma_wait3A_222 : memref<128x128xf32, #tpu.memory_space<hbm>>)
    %dma_wait3A_226 = arith.constant 448 : i32
    %dma_wait3A_227 = arith.constant 0 : i32
    %dma_wait3A_228 = tpu.memref_slice %arg7[%dma_wait3A_226, %dma_wait3A_227] : memref<512x128xf32, #tpu.memory_space<vmem>> -> memref<64x128xf32, #tpu.memory_space<vmem>>
    %dma_wait3A_229 = arith.constant 0 : i32
    %dma_wait3A_230 = tpu.memref_slice %arg4[%add3A_175, %dma_wait3A_229] : memref<16384x128xf32, #tpu.memory_space<hbm>> -> memref<64x128xf32, #tpu.memory_space<hbm>>
    %dma_wait3A_231 = arith.constant 0 : i32
    %dma_wait3A_232 = tpu.memref_slice %arg4[%add3A_175, %dma_wait3A_231] : memref<16384x128xf32, #tpu.memory_space<hbm>> -> memref<64x128xf32, #tpu.memory_space<hbm>>
    %dma_wait3A_233 = arith.constant 448 : i32
    %dma_wait3A_234 = arith.constant 0 : i32
    %dma_wait3A_235 = tpu.memref_slice %arg7[%dma_wait3A_233, %dma_wait3A_234] : memref<512x128xf32, #tpu.memory_space<vmem>> -> memref<64x128xf32, #tpu.memory_space<vmem>>
    tpu.wait_dma2 semaphore(%arg11 : memref<!tpu.dma_semaphore, #tpu.memory_space<semaphore_mem>>) src(%dma_wait3A_235 : memref<64x128xf32, #tpu.memory_space<vmem>>) dst(%dma_wait3A_232 : memref<64x128xf32, #tpu.memory_space<hbm>>)
    return
  }
}

</mosaic_0001>

<sc_bundles>
// kernel: kernel.3.cloned.1.call-start
scs
__scs_entry_jumppad:
0x0: {  	(pc) =	sbr.rel $0x88, $3  }
0x1: {  	(tag) =	ssettag $0x0;
	lr =	simm.s32 $0x1  }
0x2: {  	[smem:$0x3F9F] =	sst lr;
	_ =	strace $0xD0000000  }
0x3: {  	_ = 	snop  }
0x4: {  	_ = 	snop  }
0x5: {  	_ = 	snop  }
0x6: {  	_ = 	snop  }
0x7: {  	_ = 	snop  }
__scs_overlays_trampoline_lowered:
0x8: {  	[smem:$0x3FAE] =	sst s0  }
0x9: {  	[smem:$0x3FAF] =	sst s1  }
0xa: {  	[smem:$0x3FB0] =	sst s2  }
0xb: {  	[smem:$0x3FB1] =	sst s3  }
0xc: {  	[smem:$0x3FB2] =	sst s4  }
0xd: {  	[smem:$0x3FB3] =	sst s5  }
0xe: {  	[smem:$0x3FB4] =	sst s6  }
0xf: {  	[smem:$0x3FB5] =	sst s7  }
0x10: {  	[smem:$0x3FB6] =	sst s8  }
0x11: {  	[smem:$0x3FB7] =	sst s9;
	s0 =	simm.s32 @!p0 $0x0  }
0x12: {  	s1 =	sld [smem:$0x3F9D];
	s0 =	simm.s32 @p0 $0x1  }
0x13: {  	[smem:$0x3FB8] =	sst s0;
	s0 =	simm.s32 @!p1 $0x0  }
0x14: {  	s2 =	sld [smem:$0x3F9C];
	s0 =	simm.s32 @p1 $0x1  }
0x15: {  	[smem:$0x3FB9] =	sst s0;
	s0 =	simm.s32 @!p2 $0x0  }
0x16: {  	s3 =	sld [smem:$0x3FDB];
	s0 =	simm.s32 @p2 $0x1  }
0x17: {  	s4 =	simm.s32 $0x1BF5;
	[smem:$0x3FBB] =	sst s0  }
0x18: {  	s0 =	sld [smem:$0x3F9E];
	_ =	swait.ge [sflag:s4], $0x0  }
0x19: {  	s7 =	sld [smem:$0x3F9F]  }
0x1a: {  	s8 =	sadd.s32 $0xFFFFE003, lr  }
0x1b: {  	s9 =	sadd.s32 $0xFFFFFEF7, lr;
	s5 =	simm.s32 $0xFFFFFFFF;
	p2 =	slt.u32 s8, $0xFFFFF086  }
0x1c: {  	p1 =	slt.u32 s9, $0xF7A;
	s5 =	simm.s32 @!p2 $0x0  }
0x1d: {  	s5 =	simm.s32 @p1 $0x1;
	p0 =	seq.s32 s7, s2  }
0x1e: {  	s7 =	smul.u32 @!p0 $0xF7A, s2;
	p2 =	seq.s32 @!p0 s5, $0x0  }
0x1f: {  	s9 =	smul.u32 $0xF7A, s1;
	s8 =	simm.s32 @!p0 $0x1BF5;
	p2 =	por !p2, p0  }
0x20: {  	[sflag:s8] =	ssyncset.s32 @!p0 $0xFFFFF086;
	s6 =	sadd.s32 @!p0 s3, s7;
	s7 =	simm.s32 @!p0 $0x108  }
0x21: {  	s3 =	sadd.s32 s3, s9;
	s6 =	sadd.s32 @!p0 $0x88, s6;
	s7 =	simm.s32 @p2 $0x1082  }
0x22: {  	[simem:s7], [sflag:s8] =	dma.local @!p0 [hbm:s6], $0xF7A  }
0x23: {  	s9 =	sor.u32 $0xD0000000, s2;
	s6 =	simm.s32 $0x108;
	_ =	swait.ge @!p0 [sflag:s8], $0x0  }
0x24: {  	s3 =	sadd.s32 $0x88, s3;
	s6 =	simm.s32 @!p1 $0x1082;
	[sflag:s4] =	ssyncset.s32 $0xFFFFF086  }
0x25: {  	[simem:s6], [sflag:s4] =	dma.local [hbm:s3], $0xF7A  }
0x26: {  	[smem:$0x3F9F] =	sst s1;
	(tag) =	ssettag s2;
	_ =	strace s9  }
0x27: {  	s1 =	sld [smem:$0x3FAF]  }
0x28: {  	s2 =	sld [smem:$0x3FB0]  }
0x29: {  	s4 =	sld [smem:$0x3FB2]  }
0x2a: {  	p0 =	seq.s32 s5, $0x0;
	s5 =	sld [smem:$0x3FB3]  }
0x2b: {  	s6 =	sld [smem:$0x3FB4]  }
0x2c: {  	s7 =	sld [smem:$0x3FB5]  }
0x2d: {  	s3 =	simm.s32 $0x108;
	s8 =	sld [smem:$0x3FB6]  }
0x2e: {  	s3 =	simm.s32 @!p0 $0x1082;
	s9 =	sld [smem:$0x3FB7]  }
0x2f: {  	lr =	sadd.s32 s0, s3;
	s0 =	sld [smem:$0x3FAE]  }
0x30: {  	s3 =	sld [smem:$0x3FB1]  }
0x31: {  	[smem:$0x3FBA] =	sst s10  }
0x32: {  	s10 =	sld [smem:$0x3FB8];
	_ =	sdelay $0x3  }
0x33: {  	p0 =	seq.s32 s10, $0x1;
	s10 =	sld [smem:$0x3FBA];
	_ =	sdelay $0x3  }
0x34: {  	[smem:$0x3FBA] =	sst s10  }
0x35: {  	s10 =	sld [smem:$0x3FB9];
	_ =	sdelay $0x3  }
0x36: {  	p1 =	seq.s32 s10, $0x1;
	s10 =	sld [smem:$0x3FBA];
	_ =	sdelay $0x3  }
0x37: {  	[smem:$0x3FBA] =	sst s10  }
0x38: {  	s10 =	sld [smem:$0x3FBB]  }
0x39: {  	_ = 	snop;
	(pc) =	sbr.ind lr, $3  }
0x3a: {  	_ = 	snop  }
0x3b: {  	_ = 	snop  }
0x3c: {  	p2 =	seq.s32 s10, $0x1;
	s10 =	sld [smem:$0x3FBA]  }
0x3d: {  	_ =	shalt  }
0x3e: {  	_ =	shalt  }
0x3f: {  	_ =	shalt  }
0x40: {  	_ =	shalt  }
0x41: {  	_ =	shalt  }
0x42: {  	_ =	shalt  }
0x43: {  	_ =	shalt  }
0x44: {  	_ =	shalt  }
0x45: {  	_ =	shalt  }
0x46: {  	_ =	shalt  }
0x47: {  	_ =	shalt  }
0x48: {  	_ =	shalt  }
0x49: {  	_ =	shalt  }
0x4a: {  	_ =	shalt  }
0x4b: {  	_ =	shalt  }
0x4c: {  	_ =	shalt  }
0x4d: {  	_ =	shalt  }
0x4e: {  	_ =	shalt  }
0x4f: {  	_ =	shalt  }
0x50: {  	_ =	shalt  }
0x51: {  	_ =	shalt  }
0x52: {  	_ =	shalt  }
0x53: {  	_ =	shalt  }
0x54: {  	_ =	shalt  }
0x55: {  	_ =	shalt  }
0x56: {  	_ =	shalt  }
0x57: {  	_ =	shalt  }
0x58: {  	_ =	shalt  }
0x59: {  	_ =	shalt  }
0x5a: {  	_ =	shalt  }
0x5b: {  	_ =	shalt  }
0x5c: {  	_ =	shalt  }
0x5d: {  	_ =	shalt  }
0x5e: {  	_ =	shalt  }
0x5f: {  	_ =	shalt  }
0x60: {  	_ =	shalt  }
0x61: {  	_ =	shalt  }
0x62: {  	_ =	shalt  }
0x63: {  	_ =	shalt  }
0x64: {  	_ =	shalt  }
0x65: {  	_ =	shalt  }
0x66: {  	_ =	shalt  }
0x67: {  	_ =	shalt  }
0x68: {  	_ =	shalt  }
0x69: {  	_ =	shalt  }
0x6a: {  	_ =	shalt  }
0x6b: {  	_ =	shalt  }
0x6c: {  	_ =	shalt  }
0x6d: {  	_ =	shalt  }
0x6e: {  	_ =	shalt  }
0x6f: {  	_ =	shalt  }
0x70: {  	_ =	shalt  }
0x71: {  	_ =	shalt  }
0x72: {  	_ =	shalt  }
0x73: {  	_ =	shalt  }
0x74: {  	_ =	shalt  }
0x75: {  	_ =	shalt  }
0x76: {  	_ =	shalt  }
0x77: {  	_ =	shalt  }
0x78: {  	_ =	shalt  }
0x79: {  	_ =	shalt  }
0x7a: {  	_ =	shalt  }
0x7b: {  	_ =	shalt  }
0x7c: {  	_ =	shalt  }
0x7d: {  	_ =	shalt  }
0x7e: {  	_ =	shalt  }
0x7f: {  	_ =	shalt  }
0x80: {  	_ =	shalt  }
0x81: {  	_ =	shalt  }
0x82: {  	_ =	shalt  }
0x83: {  	_ =	shalt  }
0x84: {  	_ =	shalt  }
0x85: {  	_ =	shalt  }
0x86: {  	_ =	shalt  }
0x87: {  	_ =	shalt  }
.Lfunc_end0:
.L_simem_size_0:
called_computation_lowered:
.L_overlay_start_0:
0x88: {  	s2 =	sld [smem:$0x3FD9]  }
0x89: {  	s3 =	sld [smem:$0x3FFE];
	_ =	sdelay $0x1  }
0x8a: {  	s1 =	srdreg.scid  }
0x8b: {  	s0 =	sand.u32 $0x1, s1  }
0x8c: {  	s18 =	sshll.u32 s0, $0xA;
	s2 =	sadd.s32 s3, s2  }
0x8d: {  	s2 =	sadd.s32 s2, s18  }
0x8e: {  	[smem:$0x3FC6] =	sst s2  }
0x8f: {  	_ = 	snop  }
0x90: {  	s2 =	sld [smem:$0x3FC9]  }
0x91: {  	s19 =	sld [smem:$0x3FC8]  }
0x92: {  	s4 =	sld [smem:$0x3FD0];
	(tm) =	ssettm $0x1  }
0x93: {  	s5 =	sld [smem:$0x3FFB];
	_ =	sdelay $0x3  }
0x94: {  	_ =	strace s5  }
0x95: {  	s5 =	sld [smem:$0x3FFC];
	_ =	sdelay $0x3  }
0x96: {  	_ =	strace s5  }
0x97: {  	s5 =	sld [smem:$0x3FFD];
	_ =	sdelay $0x3  }
0x98: {  	_ =	strace s5  }
0x99: {  	_ =	strace $0x8FFFFFFF  }
0x9a: {  	s20 =	sld [smem:$0x3FDB];
	_ =	sdelay $0x1  }
0x9b: {  	s6 =	simm.s32 $_scs_section_size  }
0x9c: {  	s7 =	simm.s32 $_size__tile_overlayer_lowered;
	s8 =	simm.s32 $_tile_overlayer_lowered  }
0x9d: {  	s23 =	simm.s32 $0x1BFF;
	s22 =	sshll.u32 s8, $0x1;
	s5 =	sadd.s32 s6, s20  }
0x9e: {  	s9 =	simm.s32 $0x0;
	s21 =	sshll.u32 s7, $0x1;
	s7 =	sadd.s32 s22, s5  }
0x9f: {  	[timem:s9], [sflag:s23] =	dma.local [hbm:s7], s21  }
0xa0: {  	_ =	swait.ge [sflag:s23], s21  }
0xa1: {  	s6 =	ssub.s32 $0x0, s21;
	[sflag:s23] =	ssyncset.done $0x0  }
0xa2: {  	[sflag:s23] =	ssyncadd.s32 s6;
	_ =	sdelay $0x1  }
0xa3: {  	s24 =	simm.s32 $0x1B8B  }
0xa4: {  	_ =	swait.ge [sflag:s24], $0x1  }
0xa5: {  	[sflag:s24] =	ssyncset.done $0x0  }
0xa6: {  	s25 =	simm.s32 $0x1B8E;
	[sflag:s24] =	ssyncadd.s32 $0xFFFFFFFF  }
0xa7: {  	s26 =	simm.s32 $execute0_lowered;
	[smem:$0x3FD2] =	sst s25  }
0xa8: {  	s6 =	sshll.u32 s26, $0x1;
	_ =	strace $0x80000046;
	[dreg:$0x1] =	wrdreg $0xFFFFFFFF  }
0xa9: {  	s28 =	simm.s32 $_size_execute0_lowered;
	s5 =	sadd.s32 s5, s6;
	[dreg:$0x0] =	wrdreg $0x0  }
0xaa: {  	s6 =	sshll.u32 s28, $0x1;
	[dreg:$0x2] =	wrdreg s5  }
0xab: {  	[dreg:$0x3] =	wrdreg s6  }
0xac: {  	[dreg:$0x4] =	wrdreg $0xC0  }
0xad: {  	_ =	task [dreg:s9], $0x5FFFF  }
0xae: {  	[dreg:$0x1] =	wrdreg $0xFFFFFFFF  }
0xaf: {  	[dreg:$0x0] =	wrdreg $0x60  }
0xb0: {  	[dreg:$0x2] =	wrdreg s2  }
0xb1: {  	[dreg:$0x3] =	wrdreg s19  }
0xb2: {  	[dreg:$0x4] =	wrdreg s4  }
0xb3: {  	[dreg:$0x5] =	wrdreg $0x104000  }
0xb4: {  	[dreg:$0x6] =	wrdreg $0x9  }
0xb5: {  	_ =	task.clear_ibuf [dreg:s9], $0x7FFFF;
	_ =	strace $0x90000046  }
0xb6: {  	s29 =	simm.s32 $0x9;
	_ =	strace $0x80000048  }
0xb7: {  	_ =	swait.ge [sflag:s29], $0x1  }
0xb8: {  	[sflag:s29] =	ssyncadd.s32 $0xFFFFFFFF  }
0xb9: {  	_ =	strace $0x90000048  }
0xba: {  	_ =	sfence  }
0xbb: {  	s30 =	sld [smem:$0x0];
	_ =	sdelay $0x2  }
0xbc: {  	s31 =	sshll.u32 s1, $0xD;
	s1 =	sshrl.u32 s1, $0x2  }
0xbd: {  	s3 =	sand.u32 $0x4000, s31;
	s1 =	sadd.s32 s1, s30  }
0xbe: {  	s0 =	sor.u32 s3, s0;
	s1 =	sshll.u32 s1, $0x11  }
0xbf: {  	s0 =	sor.u32 s1, s0  }
0xc0: {  	s0 =	sadd.s32 $0x8F2B, s0  }
0xc1: {  	[sflag:s0] =	ssyncadd.remote.s32 $0x1  }
0xc2: {  	_ =	sfence.sel $0xFFFF  }
0xc3: {  	[dreg:$0x0] =	wrdreg $0xFFFFFFFF;
	(pc) =	sbr.abs _section_cstart, $3  }
0xc4: {  	[dreg:$0x1] =	wrdreg $0xFFFFFFFF  }
0xc5: {  	_ =	task.clear_ibuf [dreg:s9], $0x2FFFF;
	_ =	strace $0x9FFFFFFF  }
0xc6: {  	(tm) =	ssettm $0x7FFFFFFF  }
0xc7: {  	_ =	shalt  }
tec
execute0_lowered:
.L_overlay_start_1:
0x0: {  	(tag) =	ssettag $0x1  }
0x1: {  	s0 =	rddreg [dreg:$0x0]  }
0x2: {  	s1 =	rddreg [dreg:$0x2]  }
0x3: {  	s2 =	rddreg [dreg:$0x3];
	s4 =	srdreg.scid  }
0x4: {  	s3 =	simm.s32 $0x0;
	s11 =	stileid.u32;
	s12 =	simm.s32 $0x8  }
0x5: {  	s13 =	simm.s32 $0x40;
	s15 =	simm.s32 $0x400;
	s16 =	simm.s32 $0x80  }
0x6: {  	s18 =	simm.s32 $0x2400;
	s20 =	simm.s32 $0x6400;
	s21 =	simm.s32 $0x340  }
0x7: {  	s22 =	simm.s32 $0xA400;
	s23 =	simm.s32 $0x3C0;
	s24 =	simm.s32 $0xE400  }
0x8: {  	s25 =	simm.s32 $0x2;
	s28 =	simm.s32 $0x4;
	s29 =	simm.s32 $0x5  }
0x9: {  	s30 =	simm.s32 $0x6;
	s31 =	simm.s32 $0x7;
	s4 =	sand.u32 $0x1, s4  }
0xa: {  	[smem:$0x7FF] =	sst s3;
	s5 =	sshll.u32 s11, $0xA;
	p0 =	sne.s32 s11, $0x0  }
0xb: {  	s6 =	sshll.u32 s4, $0x9;
	_ =	strace $0x80000047;
	s4 =	ssub.s32 $0x2, s4  }
0xc: {  	s11 =	sshrl.u32 @!p0 s2, $0x3;
	s5 =	sor.u32 s6, s5;
	s26 =	sshrl.u32 s4, $0x1  }
0xd: {  	s7 =	sshrl.u32 s5, $0x3;
	s5 =	sshll.u32 s5, $0x4;
	s10 =	ssub.s32 s4, s26  }
0xe: {  	s26 =	simm.s32 $0x3;
	s4 =	sadd.s32 s0, s7;
	s5 =	sadd.s32 s1, s5  }
0xf: {  	s10 =	smax.u32 s10, $0x1;
	s0 =	simm.s32 $0x0;
	s6 =	sadd.s32 $0x400, s5  }
0x10: {  	s7 =	sadd.s32 $0xC00, s5;
	s8 =	sadd.s32 $0x1400, s5;
	s9 =	sadd.s32 $0x1C00, s5  }
.LBB2_1:
0x11: {  	s1 =	simm.s32 @!p0 $0x1C01;
	s14 =	rddreg [dreg:$0x1]  }
0x12: {  	[spmem:s11], [sflag:s1] =	dma.local @!p0 [hbm:s14], $0x100  }
0x13: {  	[tilespmem:s3], [sflag:$0x8] =	stream.linear.gather [hbm4b:s4+s3], $0x200, $0x38;
	[tilespmem:$0x10480] =	vst v63  }
0x14: {  	_ =	swait.ge [sflag:s12], $0x200  }
0x15: {  	[sflag:s12] =	ssyncset.done $0x0  }
0x16: {  	s1 =	simm.s32 $0x0;
	[sflag:s12] =	ssyncadd.s32 $0xFFFFFE00  }
0x17: {  	v0 =	vld [tilespmem:s1+$0x0];
	_ =	sdelay $0x4  }
0x18: {  	v0 =	vmul.f32 $1.500000000e+01, v0;
	_ =	sdelay $0x1  }
0x19: {  	s14 =	simm.s32 $0x10;
	v0 =	vtrunc.f32 v0  }
0x1a: {  	v1 =	vcvt.f32.s32 v0;
	v0 =	vld [tilespmem:s14+$0x0];
	_ =	sdelay $0x3  }
0x1b: {  	s17 =	simm.s32 $0x80;
	vm0 =	vgt.s32 v1, $0x0  }
.LBB2_2:
0x1c: {  	s19 =	sshra.s32 s17, $0x2;
	p1 =	sne.s32 s17, $0x7C0;
	s17 =	sadd.s32 $0x40, s17;
	v2 =	vmul.f32 $1.500000000e+01, v0;
	v1 =	vnsel vm0, $0x0, v1  }
.Ltmp0:
0x1d: {  	v0 =	vld [tilespmem:s19+$0x0];
	v1 =	vmin.u32 v1, $0xF;
	(pc) =	sbr.rel @p1 .LBB2_2-.Ltmp0, $3  }
0x1e: {  	v2 =	vtrunc.f32 v2;
	[tilespmem:s1+$0x200] =	vst v1;
	s1 =	smov.u32 s14;
	s14 =	smov.u32 s19  }
0x1f: {  	v1 =	vcvt.f32.s32 v2;
	_ =	sdelay $0x1  }
0x20: {  	vm0 =	vgt.s32 v1, $0x0  }
0x21: {  	v0 =	vmul.f32 $1.500000000e+01, v0;
	_ =	sdelay $0x1  }
0x22: {  	v0 =	vtrunc.f32 v0  }
0x23: {  	v0 =	vcvt.f32.s32 v0;
	_ =	sdelay $0x1  }
0x24: {  	v1 =	vnsel vm0, $0x0, v1;
	vm15 =	vgt.s32 v0, $0x0  }
0x25: {  	v1 =	vmin.u32 v1, $0xF;
	v0 =	vnsel vm15, $0x0, v0  }
0x26: {  	[tilespmem:s1+$0x200] =	vst v1;
	v0 =	vmin.u32 v0, $0xF  }
0x27: {  	s1 =	simm.s32 @!p0 $0x1;
	[tilespmem:s14+$0x200] =	vst v0  }
0x28: {  	_ =	swait.ge @!p0 [sflag:s1], $0x100  }
0x29: {  	[sflag:s1] =	ssyncset.done @!p0 $0x0  }
0x2a: {  	[sflag:s1] =	ssyncadd.s32 @!p0 $0xFFFFFF00  }
0x2b: {  	s14 =	simm.s32 $0x200;
	[bflag:$0x0] =	sbarrier.arrive $0xFFFF  }
0x2c: {  	[tilespmem:s15], [sflag:$0x2] =	stream.indirect.gather [spmem:s2], $0x80, s14, s13, $0xb8;
	[tilespmem:$0x10480] =	vst v63  }
0x2d: {  	s17 =	simm.s32 $0x240  }
0x2e: {  	[tilespmem:s18], [sflag:$0x3] =	stream.indirect.gather [spmem:s2], $0x80, s17, s16, $0xb8;
	[tilespmem:$0x10480] =	vst v63  }
0x2f: {  	s19 =	simm.s32 $0x2C0  }
0x30: {  	[tilespmem:s20], [sflag:$0x4] =	stream.indirect.gather [spmem:s2], $0x80, s19, s16, $0xb8;
	[tilespmem:$0x10480] =	vst v63  }
0x31: {  	_ = 	snop  }
0x32: {  	[tilespmem:s22], [sflag:$0x5] =	stream.indirect.gather [spmem:s2], $0x80, s21, s16, $0xb8;
	[tilespmem:$0x10480] =	vst v63  }
0x33: {  	_ = 	snop  }
0x34: {  	[tilespmem:s24], [sflag:$0x6] =	stream.indirect.gather [spmem:s2], $0x80, s23, s13, $0xb8;
	[tilespmem:$0x10480] =	vst v63  }
0x35: {  	_ =	swait.ge [sflag:s25], $0x2000  }
0x36: {  	[sflag:s25] =	ssyncset.done $0x0  }
0x37: {  	[sflag:s25] =	ssyncadd.s32 $0xFFFFE000  }
0x38: {  	[hbm4b:s5+s3] =	stream.linear.scatter [tilespmem:s15], [sflag:$0x7], $0x2000, $0x38;
	[tilespmem:$0x10480] =	vst v63  }
0x39: {  	_ =	swait.ge [sflag:s26], $0x4000  }
0x3a: {  	[sflag:s26] =	ssyncset.done $0x0  }
0x3b: {  	[sflag:s26] =	ssyncadd.s32 $0xFFFFC000  }
0x3c: {  	[hbm4b:s6+s3] =	stream.linear.scatter [tilespmem:s18], [sflag:$0x7], $0x4000, $0x38;
	[tilespmem:$0x10480] =	vst v63  }
0x3d: {  	_ =	swait.ge [sflag:s28], $0x4000  }
0x3e: {  	[sflag:s28] =	ssyncset.done $0x0  }
0x3f: {  	[sflag:s28] =	ssyncadd.s32 $0xFFFFC000  }
0x40: {  	[hbm4b:s7+s3] =	stream.linear.scatter [tilespmem:s20], [sflag:$0x7], $0x4000, $0x38;
	[tilespmem:$0x10480] =	vst v63  }
0x41: {  	_ =	swait.ge [sflag:s29], $0x4000  }
0x42: {  	[sflag:s29] =	ssyncset.done $0x0  }
0x43: {  	[sflag:s29] =	ssyncadd.s32 $0xFFFFC000  }
0x44: {  	[hbm4b:s8+s3] =	stream.linear.scatter [tilespmem:s22], [sflag:$0x7], $0x4000, $0x38;
	[tilespmem:$0x10480] =	vst v63  }
0x45: {  	_ =	swait.ge [sflag:s30], $0x2000  }
0x46: {  	[sflag:s30] =	ssyncset.done $0x0  }
0x47: {  	[sflag:s30] =	ssyncadd.s32 $0xFFFFE000  }
0x48: {  	[hbm4b:s9+s3] =	stream.linear.scatter [tilespmem:s24], [sflag:$0x7], $0x2000, $0x38;
	[tilespmem:$0x10480] =	vst v63  }
0x49: {  	_ =	swait.ge [sflag:s31], $0x2000  }
0x4a: {  	[sflag:s31] =	ssyncset.done $0x0  }
0x4b: {  	[sflag:s31] =	ssyncadd.s32 $0xFFFFE000  }
0x4c: {  	_ =	swait.ge [sflag:s31], $0x4000  }
0x4d: {  	[sflag:s31] =	ssyncset.done $0x0  }
0x4e: {  	[sflag:s31] =	ssyncadd.s32 $0xFFFFC000  }
0x4f: {  	_ =	swait.ge [sflag:s31], $0x4000  }
0x50: {  	[sflag:s31] =	ssyncset.done $0x0  }
0x51: {  	s0 =	sadd.s32 $0x1, s0;
	[sflag:s31] =	ssyncadd.s32 $0xFFFFC000  }
0x52: {  	p1 =	sne.s32 s0, s10;
	_ =	swait.ge [sflag:s31], $0x4000  }
.Ltmp1:
0x53: {  	[sflag:s31] =	ssyncset.done $0x0;
	(pc) =	sbr.rel @p1 .LBB2_1-.Ltmp1, $4  }
0x54: {  	[sflag:s31] =	ssyncadd.s32 $0xFFFFC000  }
0x55: {  	_ =	swait.ge [sflag:s31], $0x2000  }
0x56: {  	[sflag:s31] =	ssyncset.done $0x0  }
0x57: {  	[sflag:s31] =	ssyncadd.s32 $0xFFFFE000  }
0x58: {  	_ =	sfence.sel $0x180000  }
0x59: {  	[bflag:$0x0] =	sbarrier.arrive $0xFFFF  }
0x5a: {  	_ =	strace $0x90000047  }
0x5b: {  	[bflag:$0x2] =	sbarrier.arrive $0xFFFF  }
0x5c: {  	s0 =	rddreg [dreg:$0x4]  }
0x5d: {  	s0 =	sadd.s32 @!p0 $0x100000, s0  }
0x5e: {  	[sflag:s0] =	ssyncadd.tile.s32 @!p0 $0x1;
	_ =	shalt  }
.Lfunc_end2:
_tile_overlayer_lowered:
.L_overlay_start_2:
0x5f: {  	(tag) =	ssettag $0x2  }
0x60: {  	s0 =	rddreg [dreg:$0x0];
	s2 =	stileid.u32  }
0x61: {  	s1 =	rddreg [dreg:$0x1];
	p0 =	sne.s32 s2, $0x0  }
0x62: {  	s3 =	rddreg [dreg:$0x2];
	[bflag:$0x3] =	sbarrier.arrive $0xFFFF;
	s2 =	simm.s32 @!p0 $0x1C08  }
0x63: {  	[timem:s3], [sflag:s2] =	dma.local @!p0 [hbm:s0], s1  }
0x64: {  	s0 =	simm.s32 @!p0 $0x8  }
0x65: {  	_ =	swait.ge @!p0 [sflag:s0], s1  }
0x66: {  	s1 =	ssub.s32 @!p0 $0x0, s1;
	[sflag:s0] =	ssyncset.done @!p0 $0x0  }
0x67: {  	[sflag:s0] =	ssyncadd.s32 @!p0 s1  }
0x68: {  	[bflag:$0x3] =	sbarrier.arrive $0xFFFF  }
0x69: {  	_ =	shalt  }

</sc_bundles>
